<compile_context>
chip_gen: v7x
topology: tpu7x:2x2x1
jax: 0.10.2.dev20260603
libtpu: 0.0.44.dev20260713+nightly
codegen_flags: <defaults>
</compile_context>

<pallas_src>
import functools

import jax
import jax.numpy as jnp
from jax import lax
from jax.experimental import pallas as pl
from jax.experimental.pallas import tpu as pltpu
from jax.experimental.pallas import tpu_sc as plsc

_NB_GOS = 100000
_D = 128
_B = 16384
_MARGIN = 0.1
_EPS = 1e-5

_NC = 2
_NS = 16
_NW = _NC * _NS
_BPW = _B // _NW


def _sc_gather_body(idx_c_hbm, idx_d_hbm, emb_hbm, rad_hbm,
                    c_out, d_out, rc_out, rd_out,
                    idx_v, rows_v, rad_v, sem):
    wid = lax.axis_index("s") * _NC + lax.axis_index("c")
    base = wid * _BPW
    pltpu.sync_copy(idx_c_hbm.at[pl.ds(base, _BPW)], idx_v)
    pltpu.async_copy(emb_hbm.at[idx_v], rows_v, sem).wait()
    pltpu.sync_copy(rows_v, c_out.at[pl.ds(base, _BPW)])
    pltpu.async_copy(rad_hbm.at[idx_v], rad_v, sem).wait()
    pltpu.sync_copy(rad_v, rc_out.at[pl.ds(base, _BPW)])
    pltpu.sync_copy(idx_d_hbm.at[pl.ds(base, _BPW)], idx_v)
    pltpu.async_copy(emb_hbm.at[idx_v], rows_v, sem).wait()
    pltpu.sync_copy(rows_v, d_out.at[pl.ds(base, _BPW)])
    pltpu.async_copy(rad_hbm.at[idx_v], rad_v, sem).wait()
    pltpu.sync_copy(rad_v, rd_out.at[pl.ds(base, _BPW)])


_sc_gather = pl.kernel(
    _sc_gather_body,
    out_type=(
        jax.ShapeDtypeStruct((_B, _D), jnp.float32),
        jax.ShapeDtypeStruct((_B, _D), jnp.float32),
        jax.ShapeDtypeStruct((_B, 1), jnp.float32),
        jax.ShapeDtypeStruct((_B, 1), jnp.float32),
    ),
    mesh=plsc.VectorSubcoreMesh(core_axis_name="c", subcore_axis_name="s"),
    compiler_params=pltpu.CompilerParams(use_tc_tiling_on_sc=False),
    scratch_types=(
        pltpu.VMEM((_BPW,), jnp.int32),
        pltpu.VMEM((_BPW, _D), jnp.float32),
        pltpu.VMEM((_BPW, 1), jnp.float32),
        pltpu.SemaphoreType.DMA,
    ),
)


def _tc_loss_body(c_ref, d_ref, rc_ref, rd_ref, g_ref, out_ref):
    c = c_ref[...]
    d = d_ref[...]
    n = jnp.float32(_B)
    mc = jnp.sum(c, axis=0, keepdims=True) / n
    vc = jnp.sum(c * c, axis=0, keepdims=True) / n - mc * mc
    md = jnp.sum(d, axis=0, keepdims=True) / n
    vd = jnp.sum(d * d, axis=0, keepdims=True) / n - md * md
    g = g_ref[...]
    a = g * lax.rsqrt(vc + _EPS)
    b = g * lax.rsqrt(vd + _EPS)
    diff = (c - mc) * a - (d - md) * b
    sq = jnp.sum(diff * diff, axis=1, keepdims=True)
    dist = jnp.sqrt(sq) + jnp.abs(rc_ref[...]) - jnp.abs(rd_ref[...])
    loss = jnp.sum(jnp.maximum(dist - _MARGIN, 0.0)) / n
    out_ref[0, 0] = loss


def kernel(data, go_embed_weight, go_rad_weight, bn_weight, bn_bias):
    del bn_bias
    idx_c = data[:, 0]
    idx_d = data[:, 1]
    c_raw, d_raw, rc, rd = _sc_gather(idx_c, idx_d, go_embed_weight,
                                      go_rad_weight)
    gamma = bn_weight.reshape(1, _D)
    loss = pl.pallas_call(
        _tc_loss_body,
        out_shape=jax.ShapeDtypeStruct((1, 1), jnp.float32),
        out_specs=pl.BlockSpec(memory_space=pltpu.SMEM),
    )(c_raw, d_raw, rc, rd, gamma)
    return loss.reshape(())

# --- scband reference (transcript-rebuilt; emitter-appended) ---
"""Pipeline reference for scband-base-deep-gomodel-12146167513330 (READ-ONLY COPY).

The authoritative reference and input builder live on the scoring server;
editing this copy changes nothing except your own understanding.
"""

import jax, jax.numpy as jnp
import numpy as np
import math

NB_GOS = 100000
EMBED_DIM = 128
MARGIN = 0.1
BATCH = 16384


def _batch_norm(x, gamma, beta, eps=1e-5):
    # torch BatchNorm1d in training mode: normalize with biased batch stats
    mean = jnp.mean(x, axis=0)
    var = jnp.var(x, axis=0)
    return gamma * (x - mean) / jnp.sqrt(var + eps) + beta


def setup_inputs(seed: int = 0) -> dict:
    key = jax.random.key(seed)
    k1, k2, k3 = jax.random.split(key, 3)
    data = jax.random.randint(k1, (BATCH, 2), 0, NB_GOS, dtype=jnp.int64 if jax.config.jax_enable_x64 else jnp.int32).astype(jnp.int32)
    kval = math.sqrt(1.0 / EMBED_DIM)
    go_embed_weight = jax.random.uniform(k2, (NB_GOS, EMBED_DIM), minval=-kval, maxval=kval, dtype=jnp.float32)
    go_rad_weight = jax.random.uniform(k3, (NB_GOS, 1), minval=-kval, maxval=kval, dtype=jnp.float32)
    bn_weight = jnp.ones((EMBED_DIM,), dtype=jnp.float32)
    bn_bias = jnp.zeros((EMBED_DIM,), dtype=jnp.float32)
    return {
        "data": data,
        "go_embed_weight": go_embed_weight,
        "go_rad_weight": go_rad_weight,
        "bn_weight": bn_weight,
        "bn_bias": bn_bias,
    }


def reference(data, go_embed_weight, go_rad_weight, bn_weight, bn_bias):
    # class_dist: gather embeddings, batch-normalize each gathered batch,
    # compute n-ball distance, then nf1 hinge loss.
    c_raw = jnp.take(go_embed_weight, data[:, 0], axis=0)
    d_raw = jnp.take(go_embed_weight, data[:, 1], axis=0)
    c = _batch_norm(c_raw, bn_weight, bn_bias)
    d = _batch_norm(d_raw, bn_weight, bn_bias)
    rc = jnp.abs(jnp.take(go_rad_weight, data[:, 0], axis=0))
    rd = jnp.abs(jnp.take(go_rad_weight, data[:, 1], axis=0))
    dist = jnp.linalg.norm(c - d, axis=1, keepdims=True) + rc - rd
    loss = jnp.mean(jax.nn.relu(dist - MARGIN))
    return loss

if __name__ == "__main__":
    import jax
    _d = setup_inputs()
    print(jax.jit(kernel)(*tuple(_d.values())))

</pallas_src>

<mosaic_0001>
#map = affine_map<(d0, d1) -> (0)>
#map1 = affine_map<(d0, d1) -> (0, 0)>
module attributes {stable_mosaic.version = 14 : i64} {
  func.func @_sc_gather_body(%arg0: i32, %arg1: i32, %arg2: memref<16384xi32, #tpu.memory_space<hbm>>, %arg3: memref<16384xi32, #tpu.memory_space<hbm>>, %arg4: memref<100000x128xf32, #tpu.memory_space<hbm>>, %arg5: memref<100000x1xf32, #tpu.memory_space<hbm>>, %arg6: memref<16384x128xf32, #tpu.memory_space<hbm>>, %arg7: memref<16384x128xf32, #tpu.memory_space<hbm>>, %arg8: memref<16384x1xf32, #tpu.memory_space<hbm>>, %arg9: memref<16384x1xf32, #tpu.memory_space<hbm>>, %arg10: memref<512xi32, #tpu.memory_space<vmem>>, %arg11: memref<512x128xf32, #tpu.memory_space<vmem>>, %arg12: memref<512x1xf32, #tpu.memory_space<vmem>>, %arg13: memref<!tpu.dma_semaphore, #tpu.memory_space<semaphore_mem>>) attributes {dimension_semantics = [#tpu.dimension_semantics<core_parallel>, #tpu.dimension_semantics<subcore_parallel>], iteration_bounds = array<i64: 2, 16>, scalar_prefetch = 0 : i64, scratch_operands = 4 : i64, tpu.core_type = #tpu.core_type<sc_vector_subcore>, window_params = [{transform_indices = #map}, {transform_indices = #map}, {transform_indices = #map1}, {transform_indices = #map1}, {transform_indices = #map1}, {transform_indices = #map1}, {transform_indices = #map1}, {transform_indices = #map1}]} {
    %mul3A = arith.constant 2 : i32
    %mul3A_0 = arith.muli %arg1, %mul3A : i32
    %add3A = arith.addi %mul3A_0, %arg0 : i32
    %mul3A_1 = arith.constant 512 : i32
    %mul3A_2 = arith.muli %add3A, %mul3A_1 : i32
    "tpu.region"() ({
      %run_scoped3A = tpu.sem_alloc : memref<!tpu.dma_semaphore, #tpu.memory_space<semaphore_mem>>
      %dma_start3A_25 = tpu.memref_slice %arg2[%mul3A_2] : memref<16384xi32, #tpu.memory_space<hbm>> -> memref<512xi32, #tpu.memory_space<hbm>>
      %dma_start3A_26 = tpu.memref_slice %arg2[%mul3A_2] : memref<16384xi32, #tpu.memory_space<hbm>> -> memref<512xi32, #tpu.memory_space<hbm>>
      tpu.enqueue_dma source(%dma_start3A_26 : memref<512xi32, #tpu.memory_space<hbm>>) target(%arg10 : memref<512xi32, #tpu.memory_space<vmem>>) target_semaphore(%run_scoped3A : memref<!tpu.dma_semaphore, #tpu.memory_space<semaphore_mem>>)
      %dma_wait3A_27 = tpu.memref_slice %arg2[%mul3A_2] : memref<16384xi32, #tpu.memory_space<hbm>> -> memref<512xi32, #tpu.memory_space<hbm>>
      %dma_wait3A_28 = tpu.memref_slice %arg2[%mul3A_2] : memref<16384xi32, #tpu.memory_space<hbm>> -> memref<512xi32, #tpu.memory_space<hbm>>
      tpu.wait_dma2 semaphore(%run_scoped3A : memref<!tpu.dma_semaphore, #tpu.memory_space<semaphore_mem>>) src(%dma_wait3A_28 : memref<512xi32, #tpu.memory_space<hbm>>) dst(%arg10 : memref<512xi32, #tpu.memory_space<vmem>>)
      tpu.yield
    }) : () -> ()
    %dma_start3A = arith.constant 0 : i32
    %dma_start3A_3 = arith.constant 0 : i32
    %dma_start3A_4 = tpu.memref_slice %arg4[%dma_start3A, %dma_start3A_3] : memref<100000x128xf32, #tpu.memory_space<hbm>> -> memref<100000x128xf32, #tpu.memory_space<hbm>>
    tpu.enqueue_indirect_dma source(%dma_start3A_4 : memref<100000x128xf32, #tpu.memory_space<hbm>>) target(%arg11 : memref<512x128xf32, #tpu.memory_space<vmem>>) offsets(%arg10 : memref<512xi32, #tpu.memory_space<vmem>>) semaphore(%arg13 : memref<!tpu.dma_semaphore, #tpu.memory_space<semaphore_mem>>)
    %dma_wait3A = arith.constant 0 : i32
    %dma_wait3A_5 = arith.constant 0 : i32
    %dma_wait3A_6 = tpu.memref_slice %arg4[%dma_wait3A, %dma_wait3A_5] : memref<100000x128xf32, #tpu.memory_space<hbm>> -> memref<100000x128xf32, #tpu.memory_space<hbm>>
    tpu.wait_indirect_dma semaphore(%arg13 : memref<!tpu.dma_semaphore, #tpu.memory_space<semaphore_mem>>) src(%dma_wait3A_6 : memref<100000x128xf32, #tpu.memory_space<hbm>>) dst(%arg11 : memref<512x128xf32, #tpu.memory_space<vmem>>)
    "tpu.region"() ({
      %run_scoped3A = tpu.sem_alloc : memref<!tpu.dma_semaphore, #tpu.memory_space<semaphore_mem>>
      %dma_start3A_25 = arith.constant 0 : i32
      %dma_start3A_26 = tpu.memref_slice %arg6[%mul3A_2, %dma_start3A_25] : memref<16384x128xf32, #tpu.memory_space<hbm>> -> memref<512x128xf32, #tpu.memory_space<hbm>>
      %dma_start3A_27 = arith.constant 0 : i32
      %dma_start3A_28 = tpu.memref_slice %arg6[%mul3A_2, %dma_start3A_27] : memref<16384x128xf32, #tpu.memory_space<hbm>> -> memref<512x128xf32, #tpu.memory_space<hbm>>
      tpu.enqueue_dma source(%arg11 : memref<512x128xf32, #tpu.memory_space<vmem>>) target(%dma_start3A_28 : memref<512x128xf32, #tpu.memory_space<hbm>>) target_semaphore(%run_scoped3A : memref<!tpu.dma_semaphore, #tpu.memory_space<semaphore_mem>>)
      %dma_wait3A_29 = arith.constant 0 : i32
      %dma_wait3A_30 = tpu.memref_slice %arg6[%mul3A_2, %dma_wait3A_29] : memref<16384x128xf32, #tpu.memory_space<hbm>> -> memref<512x128xf32, #tpu.memory_space<hbm>>
      %dma_wait3A_31 = arith.constant 0 : i32
      %dma_wait3A_32 = tpu.memref_slice %arg6[%mul3A_2, %dma_wait3A_31] : memref<16384x128xf32, #tpu.memory_space<hbm>> -> memref<512x128xf32, #tpu.memory_space<hbm>>
      tpu.wait_dma2 semaphore(%run_scoped3A : memref<!tpu.dma_semaphore, #tpu.memory_space<semaphore_mem>>) src(%arg11 : memref<512x128xf32, #tpu.memory_space<vmem>>) dst(%dma_wait3A_32 : memref<512x128xf32, #tpu.memory_space<hbm>>)
      tpu.yield
    }) : () -> ()
    %dma_start3A_7 = arith.constant 0 : i32
    %dma_start3A_8 = arith.constant 0 : i32
    %dma_start3A_9 = tpu.memref_slice %arg5[%dma_start3A_7, %dma_start3A_8] : memref<100000x1xf32, #tpu.memory_space<hbm>> -> memref<100000x1xf32, #tpu.memory_space<hbm>>
    tpu.enqueue_indirect_dma source(%dma_start3A_9 : memref<100000x1xf32, #tpu.memory_space<hbm>>) target(%arg12 : memref<512x1xf32, #tpu.memory_space<vmem>>) offsets(%arg10 : memref<512xi32, #tpu.memory_space<vmem>>) semaphore(%arg13 : memref<!tpu.dma_semaphore, #tpu.memory_space<semaphore_mem>>)
    %dma_wait3A_10 = arith.constant 0 : i32
    %dma_wait3A_11 = arith.constant 0 : i32
    %dma_wait3A_12 = tpu.memref_slice %arg5[%dma_wait3A_10, %dma_wait3A_11] : memref<100000x1xf32, #tpu.memory_space<hbm>> -> memref<100000x1xf32, #tpu.memory_space<hbm>>
    tpu.wait_indirect_dma semaphore(%arg13 : memref<!tpu.dma_semaphore, #tpu.memory_space<semaphore_mem>>) src(%dma_wait3A_12 : memref<100000x1xf32, #tpu.memory_space<hbm>>) dst(%arg12 : memref<512x1xf32, #tpu.memory_space<vmem>>)
    "tpu.region"() ({
      %run_scoped3A = tpu.sem_alloc : memref<!tpu.dma_semaphore, #tpu.memory_space<semaphore_mem>>
      %dma_start3A_25 = arith.constant 0 : i32
      %dma_start3A_26 = tpu.memref_slice %arg8[%mul3A_2, %dma_start3A_25] : memref<16384x1xf32, #tpu.memory_space<hbm>> -> memref<512x1xf32, #tpu.memory_space<hbm>>
      %dma_start3A_27 = arith.constant 0 : i32
      %dma_start3A_28 = tpu.memref_slice %arg8[%mul3A_2, %dma_start3A_27] : memref<16384x1xf32, #tpu.memory_space<hbm>> -> memref<512x1xf32, #tpu.memory_space<hbm>>
      tpu.enqueue_dma source(%arg12 : memref<512x1xf32, #tpu.memory_space<vmem>>) target(%dma_start3A_28 : memref<512x1xf32, #tpu.memory_space<hbm>>) target_semaphore(%run_scoped3A : memref<!tpu.dma_semaphore, #tpu.memory_space<semaphore_mem>>)
      %dma_wait3A_29 = arith.constant 0 : i32
      %dma_wait3A_30 = tpu.memref_slice %arg8[%mul3A_2, %dma_wait3A_29] : memref<16384x1xf32, #tpu.memory_space<hbm>> -> memref<512x1xf32, #tpu.memory_space<hbm>>
      %dma_wait3A_31 = arith.constant 0 : i32
      %dma_wait3A_32 = tpu.memref_slice %arg8[%mul3A_2, %dma_wait3A_31] : memref<16384x1xf32, #tpu.memory_space<hbm>> -> memref<512x1xf32, #tpu.memory_space<hbm>>
      tpu.wait_dma2 semaphore(%run_scoped3A : memref<!tpu.dma_semaphore, #tpu.memory_space<semaphore_mem>>) src(%arg12 : memref<512x1xf32, #tpu.memory_space<vmem>>) dst(%dma_wait3A_32 : memref<512x1xf32, #tpu.memory_space<hbm>>)
      tpu.yield
    }) : () -> ()
    "tpu.region"() ({
      %run_scoped3A = tpu.sem_alloc : memref<!tpu.dma_semaphore, #tpu.memory_space<semaphore_mem>>
      %dma_start3A_25 = tpu.memref_slice %arg3[%mul3A_2] : memref<16384xi32, #tpu.memory_space<hbm>> -> memref<512xi32, #tpu.memory_space<hbm>>
      %dma_start3A_26 = tpu.memref_slice %arg3[%mul3A_2] : memref<16384xi32, #tpu.memory_space<hbm>> -> memref<512xi32, #tpu.memory_space<hbm>>
      tpu.enqueue_dma source(%dma_start3A_26 : memref<512xi32, #tpu.memory_space<hbm>>) target(%arg10 : memref<512xi32, #tpu.memory_space<vmem>>) target_semaphore(%run_scoped3A : memref<!tpu.dma_semaphore, #tpu.memory_space<semaphore_mem>>)
      %dma_wait3A_27 = tpu.memref_slice %arg3[%mul3A_2] : memref<16384xi32, #tpu.memory_space<hbm>> -> memref<512xi32, #tpu.memory_space<hbm>>
      %dma_wait3A_28 = tpu.memref_slice %arg3[%mul3A_2] : memref<16384xi32, #tpu.memory_space<hbm>> -> memref<512xi32, #tpu.memory_space<hbm>>
      tpu.wait_dma2 semaphore(%run_scoped3A : memref<!tpu.dma_semaphore, #tpu.memory_space<semaphore_mem>>) src(%dma_wait3A_28 : memref<512xi32, #tpu.memory_space<hbm>>) dst(%arg10 : memref<512xi32, #tpu.memory_space<vmem>>)
      tpu.yield
    }) : () -> ()
    %dma_start3A_13 = arith.constant 0 : i32
    %dma_start3A_14 = arith.constant 0 : i32
    %dma_start3A_15 = tpu.memref_slice %arg4[%dma_start3A_13, %dma_start3A_14] : memref<100000x128xf32, #tpu.memory_space<hbm>> -> memref<100000x128xf32, #tpu.memory_space<hbm>>
    tpu.enqueue_indirect_dma source(%dma_start3A_15 : memref<100000x128xf32, #tpu.memory_space<hbm>>) target(%arg11 : memref<512x128xf32, #tpu.memory_space<vmem>>) offsets(%arg10 : memref<512xi32, #tpu.memory_space<vmem>>) semaphore(%arg13 : memref<!tpu.dma_semaphore, #tpu.memory_space<semaphore_mem>>)
    %dma_wait3A_16 = arith.constant 0 : i32
    %dma_wait3A_17 = arith.constant 0 : i32
    %dma_wait3A_18 = tpu.memref_slice %arg4[%dma_wait3A_16, %dma_wait3A_17] : memref<100000x128xf32, #tpu.memory_space<hbm>> -> memref<100000x128xf32, #tpu.memory_space<hbm>>
    tpu.wait_indirect_dma semaphore(%arg13 : memref<!tpu.dma_semaphore, #tpu.memory_space<semaphore_mem>>) src(%dma_wait3A_18 : memref<100000x128xf32, #tpu.memory_space<hbm>>) dst(%arg11 : memref<512x128xf32, #tpu.memory_space<vmem>>)
    "tpu.region"() ({
      %run_scoped3A = tpu.sem_alloc : memref<!tpu.dma_semaphore, #tpu.memory_space<semaphore_mem>>
      %dma_start3A_25 = arith.constant 0 : i32
      %dma_start3A_26 = tpu.memref_slice %arg7[%mul3A_2, %dma_start3A_25] : memref<16384x128xf32, #tpu.memory_space<hbm>> -> memref<512x128xf32, #tpu.memory_space<hbm>>
      %dma_start3A_27 = arith.constant 0 : i32
      %dma_start3A_28 = tpu.memref_slice %arg7[%mul3A_2, %dma_start3A_27] : memref<16384x128xf32, #tpu.memory_space<hbm>> -> memref<512x128xf32, #tpu.memory_space<hbm>>
      tpu.enqueue_dma source(%arg11 : memref<512x128xf32, #tpu.memory_space<vmem>>) target(%dma_start3A_28 : memref<512x128xf32, #tpu.memory_space<hbm>>) target_semaphore(%run_scoped3A : memref<!tpu.dma_semaphore, #tpu.memory_space<semaphore_mem>>)
      %dma_wait3A_29 = arith.constant 0 : i32
      %dma_wait3A_30 = tpu.memref_slice %arg7[%mul3A_2, %dma_wait3A_29] : memref<16384x128xf32, #tpu.memory_space<hbm>> -> memref<512x128xf32, #tpu.memory_space<hbm>>
      %dma_wait3A_31 = arith.constant 0 : i32
      %dma_wait3A_32 = tpu.memref_slice %arg7[%mul3A_2, %dma_wait3A_31] : memref<16384x128xf32, #tpu.memory_space<hbm>> -> memref<512x128xf32, #tpu.memory_space<hbm>>
      tpu.wait_dma2 semaphore(%run_scoped3A : memref<!tpu.dma_semaphore, #tpu.memory_space<semaphore_mem>>) src(%arg11 : memref<512x128xf32, #tpu.memory_space<vmem>>) dst(%dma_wait3A_32 : memref<512x128xf32, #tpu.memory_space<hbm>>)
      tpu.yield
    }) : () -> ()
    %dma_start3A_19 = arith.constant 0 : i32
    %dma_start3A_20 = arith.constant 0 : i32
    %dma_start3A_21 = tpu.memref_slice %arg5[%dma_start3A_19, %dma_start3A_20] : memref<100000x1xf32, #tpu.memory_space<hbm>> -> memref<100000x1xf32, #tpu.memory_space<hbm>>
    tpu.enqueue_indirect_dma source(%dma_start3A_21 : memref<100000x1xf32, #tpu.memory_space<hbm>>) target(%arg12 : memref<512x1xf32, #tpu.memory_space<vmem>>) offsets(%arg10 : memref<512xi32, #tpu.memory_space<vmem>>) semaphore(%arg13 : memref<!tpu.dma_semaphore, #tpu.memory_space<semaphore_mem>>)
    %dma_wait3A_22 = arith.constant 0 : i32
    %dma_wait3A_23 = arith.constant 0 : i32
    %dma_wait3A_24 = tpu.memref_slice %arg5[%dma_wait3A_22, %dma_wait3A_23] : memref<100000x1xf32, #tpu.memory_space<hbm>> -> memref<100000x1xf32, #tpu.memory_space<hbm>>
    tpu.wait_indirect_dma semaphore(%arg13 : memref<!tpu.dma_semaphore, #tpu.memory_space<semaphore_mem>>) src(%dma_wait3A_24 : memref<100000x1xf32, #tpu.memory_space<hbm>>) dst(%arg12 : memref<512x1xf32, #tpu.memory_space<vmem>>)
    "tpu.region"() ({
      %run_scoped3A = tpu.sem_alloc : memref<!tpu.dma_semaphore, #tpu.memory_space<semaphore_mem>>
      %dma_start3A_25 = arith.constant 0 : i32
      %dma_start3A_26 = tpu.memref_slice %arg9[%mul3A_2, %dma_start3A_25] : memref<16384x1xf32, #tpu.memory_space<hbm>> -> memref<512x1xf32, #tpu.memory_space<hbm>>
      %dma_start3A_27 = arith.constant 0 : i32
      %dma_start3A_28 = tpu.memref_slice %arg9[%mul3A_2, %dma_start3A_27] : memref<16384x1xf32, #tpu.memory_space<hbm>> -> memref<512x1xf32, #tpu.memory_space<hbm>>
      tpu.enqueue_dma source(%arg12 : memref<512x1xf32, #tpu.memory_space<vmem>>) target(%dma_start3A_28 : memref<512x1xf32, #tpu.memory_space<hbm>>) target_semaphore(%run_scoped3A : memref<!tpu.dma_semaphore, #tpu.memory_space<semaphore_mem>>)
      %dma_wait3A_29 = arith.constant 0 : i32
      %dma_wait3A_30 = tpu.memref_slice %arg9[%mul3A_2, %dma_wait3A_29] : memref<16384x1xf32, #tpu.memory_space<hbm>> -> memref<512x1xf32, #tpu.memory_space<hbm>>
      %dma_wait3A_31 = arith.constant 0 : i32
      %dma_wait3A_32 = tpu.memref_slice %arg9[%mul3A_2, %dma_wait3A_31] : memref<16384x1xf32, #tpu.memory_space<hbm>> -> memref<512x1xf32, #tpu.memory_space<hbm>>
      tpu.wait_dma2 semaphore(%run_scoped3A : memref<!tpu.dma_semaphore, #tpu.memory_space<semaphore_mem>>) src(%arg12 : memref<512x1xf32, #tpu.memory_space<vmem>>) dst(%dma_wait3A_32 : memref<512x1xf32, #tpu.memory_space<hbm>>)
      tpu.yield
    }) : () -> ()
    return
  }
}

module attributes {stable_mosaic.version = 14 : i64} {
  func.func @_tc_loss_body(%arg0: memref<16384x128xf32, #tpu.memory_space<vmem>>, %arg1: memref<16384x128xf32, #tpu.memory_space<vmem>>, %arg2: memref<16384x1xf32, #tpu.memory_space<vmem>>, %arg3: memref<16384x1xf32, #tpu.memory_space<vmem>>, %arg4: memref<1x128xf32, #tpu.memory_space<vmem>>, %arg5: memref<1x1xf32, #tpu.memory_space<smem>>) attributes {dimension_semantics = [], scalar_prefetch = 0 : i64, scratch_operands = 0 : i64, tpu.core_type = #tpu.core_type<tc>} {
    %get3A = arith.constant 0 : index
    %get3A_0 = arith.constant 0 : index
    %get3A_1 = vector.load %arg0[%get3A, %get3A_0] : memref<16384x128xf32, #tpu.memory_space<vmem>>, vector<16384x128xf32>
    %get3A_2 = arith.constant 0 : index
    %get3A_3 = arith.constant 0 : index
    %get3A_4 = vector.load %arg1[%get3A_2, %get3A_3] : memref<16384x128xf32, #tpu.memory_space<vmem>>, vector<16384x128xf32>
    %reduce_sum3A = arith.constant dense<0.000000e+00> : vector<128xf32>
    %reduce_sum3A_5 = vector.multi_reduction <add>, %get3A_1, %reduce_sum3A [0] : vector<16384x128xf32> to vector<128xf32>
    %broadcast_in_dim3A = vector.shape_cast %reduce_sum3A_5 : vector<128xf32> to vector<1x128xf32>
    %div3A = arith.constant 1.638400e+04 : f32
    %div3A_6 = vector.broadcast %div3A : f32 to vector<1x128xf32>
    %div3A_7 = arith.divf %broadcast_in_dim3A, %div3A_6 : vector<1x128xf32>
    %mul3A = arith.mulf %get3A_1, %get3A_1 : vector<16384x128xf32>
    %reduce_sum3A_8 = arith.constant dense<0.000000e+00> : vector<128xf32>
    %reduce_sum3A_9 = vector.multi_reduction <add>, %mul3A, %reduce_sum3A_8 [0] : vector<16384x128xf32> to vector<128xf32>
    %broadcast_in_dim3A_10 = vector.shape_cast %reduce_sum3A_9 : vector<128xf32> to vector<1x128xf32>
    %div3A_11 = arith.constant 1.638400e+04 : f32
    %div3A_12 = vector.broadcast %div3A_11 : f32 to vector<1x128xf32>
    %div3A_13 = arith.divf %broadcast_in_dim3A_10, %div3A_12 : vector<1x128xf32>
    %mul3A_14 = arith.mulf %div3A_7, %div3A_7 : vector<1x128xf32>
    %sub3A = arith.subf %div3A_13, %mul3A_14 : vector<1x128xf32>
    %reduce_sum3A_15 = arith.constant dense<0.000000e+00> : vector<128xf32>
    %reduce_sum3A_16 = vector.multi_reduction <add>, %get3A_4, %reduce_sum3A_15 [0] : vector<16384x128xf32> to vector<128xf32>
    %broadcast_in_dim3A_17 = vector.shape_cast %reduce_sum3A_16 : vector<128xf32> to vector<1x128xf32>
    %div3A_18 = arith.constant 1.638400e+04 : f32
    %div3A_19 = vector.broadcast %div3A_18 : f32 to vector<1x128xf32>
    %div3A_20 = arith.divf %broadcast_in_dim3A_17, %div3A_19 : vector<1x128xf32>
    %mul3A_21 = arith.mulf %get3A_4, %get3A_4 : vector<16384x128xf32>
    %reduce_sum3A_22 = arith.constant dense<0.000000e+00> : vector<128xf32>
    %reduce_sum3A_23 = vector.multi_reduction <add>, %mul3A_21, %reduce_sum3A_22 [0] : vector<16384x128xf32> to vector<128xf32>
    %broadcast_in_dim3A_24 = vector.shape_cast %reduce_sum3A_23 : vector<128xf32> to vector<1x128xf32>
    %div3A_25 = arith.constant 1.638400e+04 : f32
    %div3A_26 = vector.broadcast %div3A_25 : f32 to vector<1x128xf32>
    %div3A_27 = arith.divf %broadcast_in_dim3A_24, %div3A_26 : vector<1x128xf32>
    %mul3A_28 = arith.mulf %div3A_20, %div3A_20 : vector<1x128xf32>
    %sub3A_29 = arith.subf %div3A_27, %mul3A_28 : vector<1x128xf32>
    %get3A_30 = arith.constant 0 : index
    %get3A_31 = arith.constant 0 : index
    %get3A_32 = vector.load %arg4[%get3A_30, %get3A_31] : memref<1x128xf32, #tpu.memory_space<vmem>>, vector<1x128xf32>
    %add3A = arith.constant 9.99999974E-6 : f32
    %add3A_33 = vector.broadcast %add3A : f32 to vector<1x128xf32>
    %add3A_34 = arith.addf %sub3A, %add3A_33 : vector<1x128xf32>
    %rsqrt3A = math.rsqrt %add3A_34 : vector<1x128xf32>
    %mul3A_35 = arith.mulf %get3A_32, %rsqrt3A : vector<1x128xf32>
    %add3A_36 = arith.constant 9.99999974E-6 : f32
    %add3A_37 = vector.broadcast %add3A_36 : f32 to vector<1x128xf32>
    %add3A_38 = arith.addf %sub3A_29, %add3A_37 : vector<1x128xf32>
    %rsqrt3A_39 = math.rsqrt %add3A_38 : vector<1x128xf32>
    %mul3A_40 = arith.mulf %get3A_32, %rsqrt3A_39 : vector<1x128xf32>
    %sub3A_41 = vector.broadcast %div3A_7 : vector<1x128xf32> to vector<16384x128xf32>
    %sub3A_42 = arith.subf %get3A_1, %sub3A_41 : vector<16384x128xf32>
    %mul3A_43 = vector.broadcast %mul3A_35 : vector<1x128xf32> to vector<16384x128xf32>
    %mul3A_44 = arith.mulf %sub3A_42, %mul3A_43 : vector<16384x128xf32>
    %sub3A_45 = vector.broadcast %div3A_20 : vector<1x128xf32> to vector<16384x128xf32>
    %sub3A_46 = arith.subf %get3A_4, %sub3A_45 : vector<16384x128xf32>
    %mul3A_47 = vector.broadcast %mul3A_40 : vector<1x128xf32> to vector<16384x128xf32>
    %mul3A_48 = arith.mulf %sub3A_46, %mul3A_47 : vector<16384x128xf32>
    %sub3A_49 = arith.subf %mul3A_44, %mul3A_48 : vector<16384x128xf32>
    %mul3A_50 = arith.mulf %sub3A_49, %sub3A_49 : vector<16384x128xf32>
    %reduce_sum3A_51 = arith.constant dense<0.000000e+00> : vector<16384xf32>
    %reduce_sum3A_52 = vector.multi_reduction <add>, %mul3A_50, %reduce_sum3A_51 [1] : vector<16384x128xf32> to vector<16384xf32>
    %broadcast_in_dim3A_53 = vector.shape_cast %reduce_sum3A_52 : vector<16384xf32> to vector<16384x1xf32>
    %sqrt3A = math.sqrt %broadcast_in_dim3A_53 : vector<16384x1xf32>
    %get3A_54 = arith.constant 0 : index
    %get3A_55 = arith.constant 0 : index
    %get3A_56 = vector.load %arg2[%get3A_54, %get3A_55] : memref<16384x1xf32, #tpu.memory_space<vmem>>, vector<16384x1xf32>
    %abs3A = math.absf %get3A_56 : vector<16384x1xf32>
    %add3A_57 = arith.addf %sqrt3A, %abs3A : vector<16384x1xf32>
    %get3A_58 = arith.constant 0 : index
    %get3A_59 = arith.constant 0 : index
    %get3A_60 = vector.load %arg3[%get3A_58, %get3A_59] : memref<16384x1xf32, #tpu.memory_space<vmem>>, vector<16384x1xf32>
    %abs3A_61 = math.absf %get3A_60 : vector<16384x1xf32>
    %sub3A_62 = arith.subf %add3A_57, %abs3A_61 : vector<16384x1xf32>
    %sub3A_63 = arith.constant 1.000000e-01 : f32
    %sub3A_64 = vector.broadcast %sub3A_63 : f32 to vector<16384x1xf32>
    %sub3A_65 = arith.subf %sub3A_62, %sub3A_64 : vector<16384x1xf32>
    %max3A = arith.constant 0.000000e+00 : f32
    %max3A_66 = vector.broadcast %max3A : f32 to vector<16384x1xf32>
    %max3A_67 = arith.maximumf %sub3A_65, %max3A_66 : vector<16384x1xf32>
    %reduce_sum3A_68 = vector.shape_cast %max3A_67 : vector<16384x1xf32> to vector<1x16384x1xf32>
    %reduce_sum3A_69 = arith.constant dense<0.000000e+00> : vector<1xf32>
    %reduce_sum3A_70 = vector.multi_reduction <add>, %reduce_sum3A_68, %reduce_sum3A_69 [1, 2] : vector<1x16384x1xf32> to vector<1xf32>
    %reduce_sum3A_71 = vector.shape_cast %reduce_sum3A_70 : vector<1xf32> to vector<1x1x1xf32>
    %reduce_sum3A_72 = vector.extract %reduce_sum3A_71[0, 0, 0] : f32 from vector<1x1x1xf32>
    %div3A_73 = arith.constant 1.638400e+04 : f32
    %div3A_74 = arith.divf %reduce_sum3A_72, %div3A_73 : f32
    %swap3A = arith.constant 0 : index
    %swap3A_75 = arith.constant 0 : index
    %swap3A_76 = memref.load %arg5[%swap3A, %swap3A_75] : memref<1x1xf32, #tpu.memory_space<smem>>
    memref.store %div3A_74, %arg5[%swap3A, %swap3A_75] : memref<1x1xf32, #tpu.memory_space<smem>>
    return
  }
}

</mosaic_0001>

<sc_bundles>
// kernel: kernel.4.cloned.1.call-start
scs
__scs_entry_jumppad:
0x0: {  	(pc) =	sbr.rel $0x88, $3  }
0x1: {  	(tag) =	ssettag $0x0;
	lr =	simm.s32 $0x1  }
0x2: {  	[smem:$0x3F9D] =	sst lr;
	_ =	strace $0xD0000000  }
0x3: {  	_ = 	snop  }
0x4: {  	_ = 	snop  }
0x5: {  	_ = 	snop  }
0x6: {  	_ = 	snop  }
0x7: {  	_ = 	snop  }
__scs_overlays_trampoline_lowered:
0x8: {  	[smem:$0x3FAC] =	sst s0  }
0x9: {  	[smem:$0x3FAD] =	sst s1  }
0xa: {  	[smem:$0x3FAE] =	sst s2  }
0xb: {  	[smem:$0x3FAF] =	sst s3  }
0xc: {  	[smem:$0x3FB0] =	sst s4  }
0xd: {  	[smem:$0x3FB1] =	sst s5  }
0xe: {  	[smem:$0x3FB2] =	sst s6  }
0xf: {  	[smem:$0x3FB3] =	sst s7  }
0x10: {  	[smem:$0x3FB4] =	sst s8  }
0x11: {  	[smem:$0x3FB5] =	sst s9;
	s0 =	simm.s32 @!p0 $0x0  }
0x12: {  	s1 =	sld [smem:$0x3F9B];
	s0 =	simm.s32 @p0 $0x1  }
0x13: {  	[smem:$0x3FB6] =	sst s0;
	s0 =	simm.s32 @!p1 $0x0  }
0x14: {  	s2 =	sld [smem:$0x3F9A];
	s0 =	simm.s32 @p1 $0x1  }
0x15: {  	[smem:$0x3FB7] =	sst s0;
	s0 =	simm.s32 @!p2 $0x0  }
0x16: {  	s3 =	sld [smem:$0x3FDB];
	s0 =	simm.s32 @p2 $0x1  }
0x17: {  	s4 =	simm.s32 $0x1BF5;
	[smem:$0x3FB9] =	sst s0  }
0x18: {  	s0 =	sld [smem:$0x3F9C];
	_ =	swait.ge [sflag:s4], $0x0  }
0x19: {  	s7 =	sld [smem:$0x3F9D]  }
0x1a: {  	s8 =	sadd.s32 $0xFFFFE003, lr  }
0x1b: {  	s9 =	sadd.s32 $0xFFFFFEF7, lr;
	s5 =	simm.s32 $0xFFFFFFFF;
	p2 =	slt.u32 s8, $0xFFFFF086  }
0x1c: {  	p1 =	slt.u32 s9, $0xF7A;
	s5 =	simm.s32 @!p2 $0x0  }
0x1d: {  	s5 =	simm.s32 @p1 $0x1;
	p0 =	seq.s32 s7, s2  }
0x1e: {  	s7 =	smul.u32 @!p0 $0xF7A, s2;
	p2 =	seq.s32 @!p0 s5, $0x0  }
0x1f: {  	s9 =	smul.u32 $0xF7A, s1;
	s8 =	simm.s32 @!p0 $0x1BF5;
	p2 =	por !p2, p0  }
0x20: {  	[sflag:s8] =	ssyncset.s32 @!p0 $0xFFFFF086;
	s6 =	sadd.s32 @!p0 s3, s7;
	s7 =	simm.s32 @!p0 $0x108  }
0x21: {  	s3 =	sadd.s32 s3, s9;
	s6 =	sadd.s32 @!p0 $0x88, s6;
	s7 =	simm.s32 @p2 $0x1082  }
0x22: {  	[simem:s7], [sflag:s8] =	dma.local @!p0 [hbm:s6], $0xF7A  }
0x23: {  	s9 =	sor.u32 $0xD0000000, s2;
	s6 =	simm.s32 $0x108;
	_ =	swait.ge @!p0 [sflag:s8], $0x0  }
0x24: {  	s3 =	sadd.s32 $0x88, s3;
	s6 =	simm.s32 @!p1 $0x1082;
	[sflag:s4] =	ssyncset.s32 $0xFFFFF086  }
0x25: {  	[simem:s6], [sflag:s4] =	dma.local [hbm:s3], $0xF7A  }
0x26: {  	[smem:$0x3F9D] =	sst s1;
	(tag) =	ssettag s2;
	_ =	strace s9  }
0x27: {  	s1 =	sld [smem:$0x3FAD]  }
0x28: {  	s2 =	sld [smem:$0x3FAE]  }
0x29: {  	s4 =	sld [smem:$0x3FB0]  }
0x2a: {  	p0 =	seq.s32 s5, $0x0;
	s5 =	sld [smem:$0x3FB1]  }
0x2b: {  	s6 =	sld [smem:$0x3FB2]  }
0x2c: {  	s7 =	sld [smem:$0x3FB3]  }
0x2d: {  	s3 =	simm.s32 $0x108;
	s8 =	sld [smem:$0x3FB4]  }
0x2e: {  	s3 =	simm.s32 @!p0 $0x1082;
	s9 =	sld [smem:$0x3FB5]  }
0x2f: {  	lr =	sadd.s32 s0, s3;
	s0 =	sld [smem:$0x3FAC]  }
0x30: {  	s3 =	sld [smem:$0x3FAF]  }
0x31: {  	[smem:$0x3FB8] =	sst s10  }
0x32: {  	s10 =	sld [smem:$0x3FB6];
	_ =	sdelay $0x3  }
0x33: {  	p0 =	seq.s32 s10, $0x1;
	s10 =	sld [smem:$0x3FB8];
	_ =	sdelay $0x3  }
0x34: {  	[smem:$0x3FB8] =	sst s10  }
0x35: {  	s10 =	sld [smem:$0x3FB7];
	_ =	sdelay $0x3  }
0x36: {  	p1 =	seq.s32 s10, $0x1;
	s10 =	sld [smem:$0x3FB8];
	_ =	sdelay $0x3  }
0x37: {  	[smem:$0x3FB8] =	sst s10  }
0x38: {  	s10 =	sld [smem:$0x3FB9]  }
0x39: {  	_ = 	snop;
	(pc) =	sbr.ind lr, $3  }
0x3a: {  	_ = 	snop  }
0x3b: {  	_ = 	snop  }
0x3c: {  	p2 =	seq.s32 s10, $0x1;
	s10 =	sld [smem:$0x3FB8]  }
0x3d: {  	_ =	shalt  }
0x3e: {  	_ =	shalt  }
0x3f: {  	_ =	shalt  }
0x40: {  	_ =	shalt  }
0x41: {  	_ =	shalt  }
0x42: {  	_ =	shalt  }
0x43: {  	_ =	shalt  }
0x44: {  	_ =	shalt  }
0x45: {  	_ =	shalt  }
0x46: {  	_ =	shalt  }
0x47: {  	_ =	shalt  }
0x48: {  	_ =	shalt  }
0x49: {  	_ =	shalt  }
0x4a: {  	_ =	shalt  }
0x4b: {  	_ =	shalt  }
0x4c: {  	_ =	shalt  }
0x4d: {  	_ =	shalt  }
0x4e: {  	_ =	shalt  }
0x4f: {  	_ =	shalt  }
0x50: {  	_ =	shalt  }
0x51: {  	_ =	shalt  }
0x52: {  	_ =	shalt  }
0x53: {  	_ =	shalt  }
0x54: {  	_ =	shalt  }
0x55: {  	_ =	shalt  }
0x56: {  	_ =	shalt  }
0x57: {  	_ =	shalt  }
0x58: {  	_ =	shalt  }
0x59: {  	_ =	shalt  }
0x5a: {  	_ =	shalt  }
0x5b: {  	_ =	shalt  }
0x5c: {  	_ =	shalt  }
0x5d: {  	_ =	shalt  }
0x5e: {  	_ =	shalt  }
0x5f: {  	_ =	shalt  }
0x60: {  	_ =	shalt  }
0x61: {  	_ =	shalt  }
0x62: {  	_ =	shalt  }
0x63: {  	_ =	shalt  }
0x64: {  	_ =	shalt  }
0x65: {  	_ =	shalt  }
0x66: {  	_ =	shalt  }
0x67: {  	_ =	shalt  }
0x68: {  	_ =	shalt  }
0x69: {  	_ =	shalt  }
0x6a: {  	_ =	shalt  }
0x6b: {  	_ =	shalt  }
0x6c: {  	_ =	shalt  }
0x6d: {  	_ =	shalt  }
0x6e: {  	_ =	shalt  }
0x6f: {  	_ =	shalt  }
0x70: {  	_ =	shalt  }
0x71: {  	_ =	shalt  }
0x72: {  	_ =	shalt  }
0x73: {  	_ =	shalt  }
0x74: {  	_ =	shalt  }
0x75: {  	_ =	shalt  }
0x76: {  	_ =	shalt  }
0x77: {  	_ =	shalt  }
0x78: {  	_ =	shalt  }
0x79: {  	_ =	shalt  }
0x7a: {  	_ =	shalt  }
0x7b: {  	_ =	shalt  }
0x7c: {  	_ =	shalt  }
0x7d: {  	_ =	shalt  }
0x7e: {  	_ =	shalt  }
0x7f: {  	_ =	shalt  }
0x80: {  	_ =	shalt  }
0x81: {  	_ =	shalt  }
0x82: {  	_ =	shalt  }
0x83: {  	_ =	shalt  }
0x84: {  	_ =	shalt  }
0x85: {  	_ =	shalt  }
0x86: {  	_ =	shalt  }
0x87: {  	_ =	shalt  }
.Lfunc_end0:
.L_simem_size_0:
called_computation_lowered:
.L_overlay_start_0:
0x88: {  	s2 =	sld [smem:$0x3FD9]  }
0x89: {  	s3 =	sld [smem:$0x3FFE];
	_ =	sdelay $0x1  }
0x8a: {  	s1 =	srdreg.scid  }
0x8b: {  	s0 =	sand.u32 $0x1, s1  }
0x8c: {  	s17 =	sshll.u32 s0, $0xA;
	s2 =	sadd.s32 s3, s2  }
0x8d: {  	s2 =	sadd.s32 s2, s17  }
0x8e: {  	[smem:$0x3FC4] =	sst s2  }
0x8f: {  	_ = 	snop  }
0x90: {  	s2 =	sld [smem:$0x3FC8];
	(tm) =	ssettm $0x1  }
0x91: {  	s18 =	sld [smem:$0x3FFB];
	_ =	sdelay $0x3  }
0x92: {  	_ =	strace s18  }
0x93: {  	s3 =	sld [smem:$0x3FFC];
	_ =	sdelay $0x3  }
0x94: {  	_ =	strace s3  }
0x95: {  	s3 =	sld [smem:$0x3FFD];
	_ =	sdelay $0x3  }
0x96: {  	_ =	strace s3  }
0x97: {  	_ =	strace $0x8FFFFFFF  }
0x98: {  	s19 =	sld [smem:$0x3FDB];
	_ =	sdelay $0x1  }
0x99: {  	s4 =	simm.s32 $_scs_section_size  }
0x9a: {  	s5 =	simm.s32 $_size__tile_overlayer_lowered;
	s6 =	simm.s32 $_tile_overlayer_lowered  }
0x9b: {  	s22 =	simm.s32 $0x1BFF;
	s21 =	sshll.u32 s6, $0x1;
	s3 =	sadd.s32 s4, s19  }
0x9c: {  	s7 =	simm.s32 $0x0;
	s20 =	sshll.u32 s5, $0x1;
	s5 =	sadd.s32 s21, s3  }
0x9d: {  	[timem:s7], [sflag:s22] =	dma.local [hbm:s5], s20  }
0x9e: {  	_ =	swait.ge [sflag:s22], s20  }
0x9f: {  	s4 =	ssub.s32 $0x0, s20;
	[sflag:s22] =	ssyncset.done $0x0  }
0xa0: {  	[sflag:s22] =	ssyncadd.s32 s4;
	_ =	sdelay $0x1  }
0xa1: {  	s23 =	simm.s32 $0x1B8B  }
0xa2: {  	_ =	swait.ge [sflag:s23], $0x1  }
0xa3: {  	[sflag:s23] =	ssyncset.done $0x0  }
0xa4: {  	s25 =	simm.s32 $0x1B8E;
	s24 =	sld [smem:$0x3FFE];
	[sflag:s23] =	ssyncadd.s32 $0xFFFFFFFF  }
0xa5: {  	s26 =	simm.s32 $execute0_lowered;
	[smem:$0x3FD2] =	sst s25  }
0xa6: {  	s5 =	sshll.u32 s26, $0x1;
	_ =	strace $0x80000046;
	[dreg:$0x1] =	wrdreg $0xFFFFFFFF  }
0xa7: {  	s28 =	simm.s32 $_size_execute0_lowered;
	s3 =	sadd.s32 s3, s5;
	[dreg:$0x0] =	wrdreg $0x0  }
0xa8: {  	s5 =	sshll.u32 s28, $0x1;
	[dreg:$0x2] =	wrdreg s3  }
0xa9: {  	[dreg:$0x3] =	wrdreg s5  }
0xaa: {  	[dreg:$0x4] =	wrdreg $0xC0  }
0xab: {  	_ =	task [dreg:s7], $0x5FFFF  }
0xac: {  	[dreg:$0x1] =	wrdreg $0xFFFFFFFF  }
0xad: {  	[dreg:$0x0] =	wrdreg $0x60  }
0xae: {  	[dreg:$0x2] =	wrdreg s24  }
0xaf: {  	[dreg:$0x3] =	wrdreg s2  }
0xb0: {  	[dreg:$0x4] =	wrdreg $0x9  }
0xb1: {  	_ =	task.clear_ibuf [dreg:s7], $0x5FFFF;
	_ =	strace $0x90000046  }
0xb2: {  	s29 =	simm.s32 $0x9;
	_ =	strace $0x80000048  }
0xb3: {  	_ =	swait.ge [sflag:s29], $0x1  }
0xb4: {  	[sflag:s29] =	ssyncadd.s32 $0xFFFFFFFF  }
0xb5: {  	_ =	strace $0x90000048  }
0xb6: {  	_ =	sfence  }
0xb7: {  	s30 =	sld [smem:$0x0];
	_ =	sdelay $0x2  }
0xb8: {  	s31 =	sshll.u32 s1, $0xD;
	s1 =	sshrl.u32 s1, $0x2  }
0xb9: {  	s3 =	sand.u32 $0x4000, s31;
	s1 =	sadd.s32 s1, s30  }
0xba: {  	s0 =	sor.u32 s3, s0;
	s1 =	sshll.u32 s1, $0x11  }
0xbb: {  	s0 =	sor.u32 s1, s0  }
0xbc: {  	s0 =	sadd.s32 $0x8F2B, s0  }
0xbd: {  	[sflag:s0] =	ssyncadd.remote.s32 $0x1  }
0xbe: {  	_ =	sfence.sel $0xFFFF  }
0xbf: {  	[dreg:$0x0] =	wrdreg $0xFFFFFFFF;
	(pc) =	sbr.abs _section_cstart, $3  }
0xc0: {  	[dreg:$0x1] =	wrdreg $0xFFFFFFFF  }
0xc1: {  	_ =	task.clear_ibuf [dreg:s7], $0x2FFFF;
	_ =	strace $0x9FFFFFFF  }
0xc2: {  	(tm) =	ssettm $0x7FFFFFFF  }
0xc3: {  	_ =	shalt  }
tec
execute0_lowered:
.L_overlay_start_1:
0x0: {  	(tag) =	ssettag $0x1  }
0x1: {  	s1 =	srdreg.scid  }
0x2: {  	s0 =	stileid.u32;
	s14 =	sand.u32 $0x1, s1  }
0x3: {  	s11 =	rddreg [dreg:$0x0];
	s30 =	sshll.u32 s0, $0xA;
	s3 =	sshll.u32 s14, $0x9  }
0x4: {  	s2 =	rddreg [dreg:$0x1];
	s12 =	sor.u32 s3, s30  }
0x5: {  	s1 =	rddreg [dreg:$0x2];
	s3 =	simm.s32 $0x0;
	s4 =	sshrl.u32 s12, $0x3  }
0x6: {  	[smem:$0x7FF] =	sst s3;
	s13 =	sadd.s32 s4, s11  }
0x7: {  	_ =	strace $0x80000047;
	s4 =	simm.s32 $0x2;
	s5 =	sadd.s32 $0x1A00, s13  }
0x8: {  	[tilespmem:s3], [sflag:$0x2] =	stream.linear.gather [hbm4b:s5+s3], $0x200, $0x38;
	[tilespmem:$0x11200] =	vst v63  }
0x9: {  	_ =	swait.ge [sflag:s4], $0x200  }
0xa: {  	[sflag:s4] =	ssyncset.done $0x0  }
0xb: {  	s6 =	simm.s32 $0x200;
	s7 =	simm.s32 $0x1;
	[sflag:s4] =	ssyncadd.s32 $0xFFFFFE00  }
0xc: {  	[tilespmem:s6], [sflag:$0x1] =	stream.indirect.gather [hbm4b:s2+s6], $0x80, s3, s6, $0xb8;
	[tilespmem:$0x11200] =	vst v63  }
0xd: {  	s8 =	sshll.u32 s12, $0x4;
	_ =	swait.ge [sflag:s7], $0x10000  }
0xe: {  	s15 =	sadd.s32 s8, s11;
	[sflag:s7] =	ssyncset.done $0x0  }
0xf: {  	s8 =	sadd.s32 $0x22A00, s15;
	[sflag:s7] =	ssyncadd.s32 $0xFFFF0000  }
0x10: {  	[hbm4b:s8+s3] =	stream.linear.scatter [tilespmem:s6], [sflag:$0x2], $0x10000, $0x38;
	[tilespmem:$0x11200] =	vst v63  }
0x11: {  	_ =	swait.ge [sflag:s4], $0x10000  }
0x12: {  	[sflag:s4] =	ssyncset.done $0x0  }
0x13: {  	s10 =	simm.s32 $0x10200;
	s9 =	sadd.s32 $0x2200, s11;
	[sflag:s4] =	ssyncadd.s32 $0xFFFF0000  }
0x14: {  	[tilespmem:s10], [sflag:$0x1] =	stream.indirect.gather [hbm4b:s9+s6], $0x1, s3, s6, $0xb8;
	[tilespmem:$0x11200] =	vst v63  }
0x15: {  	_ =	swait.ge [sflag:s7], $0x200  }
0x16: {  	s16 =	sadd.s32 s12, s11;
	[sflag:s7] =	ssyncset.done $0x0  }
0x17: {  	s11 =	sadd.s32 $0x1AA00, s16;
	[sflag:s7] =	ssyncadd.s32 $0xFFFFFE00  }
0x18: {  	[hbm4b:s11+s3] =	stream.linear.scatter [tilespmem:s10], [sflag:$0x2], $0x1000, $0x38;
	[tilespmem:$0x11200] =	vst v63  }
0x19: {  	_ =	swait.ge [sflag:s4], $0x1000  }
0x1a: {  	[sflag:s4] =	ssyncset.done $0x0  }
0x1b: {  	s12 =	sadd.s32 $0x1200, s13;
	[sflag:s4] =	ssyncadd.s32 $0xFFFFF000  }
0x1c: {  	[tilespmem:s3], [sflag:$0x2] =	stream.linear.gather [hbm4b:s12+s3], $0x200, $0x38;
	[tilespmem:$0x11200] =	vst v63  }
0x1d: {  	_ =	swait.ge [sflag:s4], $0x200  }
0x1e: {  	[sflag:s4] =	ssyncset.done $0x0  }
0x1f: {  	[sflag:s4] =	ssyncadd.s32 $0xFFFFFE00  }
0x20: {  	[tilespmem:s6], [sflag:$0x1] =	stream.indirect.gather [hbm4b:s2+s6], $0x80, s3, s6, $0xb8;
	[tilespmem:$0x11200] =	vst v63  }
0x21: {  	_ =	swait.ge [sflag:s7], $0x10000  }
0x22: {  	[sflag:s7] =	ssyncset.done $0x0  }
0x23: {  	s14 =	ssub.s32 $0x2, s14;
	s13 =	sadd.s32 $0x62A00, s15;
	[sflag:s7] =	ssyncadd.s32 $0xFFFF0000  }
0x24: {  	[hbm4b:s13+s3] =	stream.linear.scatter [tilespmem:s6], [sflag:$0x2], $0x10000, $0x38;
	[tilespmem:$0x11200] =	vst v63  }
0x25: {  	s31 =	sshrl.u32 s14, $0x1;
	_ =	swait.ge [sflag:s4], $0x10000  }
0x26: {  	s15 =	ssub.s32 s14, s31;
	[sflag:s4] =	ssyncset.done $0x0  }
0x27: {  	s15 =	smax.u32 s15, $0x1;
	[sflag:s4] =	ssyncadd.s32 $0xFFFF0000  }
0x28: {  	[tilespmem:s10], [sflag:$0x1] =	stream.indirect.gather [hbm4b:s9+s6], $0x1, s3, s6, $0xb8;
	[tilespmem:$0x11200] =	vst v63  }
0x29: {  	p0 =	sne.s32 s15, $0x1;
	_ =	swait.ge [sflag:s7], $0x200  }
.Ltmp0:
0x2a: {  	[sflag:s7] =	ssyncset.done $0x0;
	(pc) =	sbr.rel @!p0 .LBB2_2-.Ltmp0, $4  }
0x2b: {  	s14 =	sadd.s32 $0x1EA00, s16;
	[sflag:s7] =	ssyncadd.s32 $0xFFFFFE00  }
0x2c: {  	[hbm4b:s14+s3] =	stream.linear.scatter [tilespmem:s10], [sflag:$0x2], $0x1000, $0x38;
	[tilespmem:$0x11200] =	vst v63  }
0x2d: {  	_ =	swait.ge [sflag:s4], $0x1000  }
0x2e: {  	s15 =	sadd.s32 $0xFFFFFFFF, s15;
	[sflag:s4] =	ssyncset.done $0x0  }
.LBB2_1:
0x2f: {  	p0 =	sne.s32 s15, $0x1;
	s15 =	sadd.s32 $0xFFFFFFFF, s15;
	[sflag:s4] =	ssyncadd.s32 $0xFFFFF000  }
0x30: {  	[tilespmem:s3], [sflag:$0x2] =	stream.linear.gather [hbm4b:s5+s3], $0x200, $0x38;
	[tilespmem:$0x11200] =	vst v63  }
0x31: {  	_ =	swait.ge [sflag:s4], $0x200  }
0x32: {  	[sflag:s4] =	ssyncset.done $0x0  }
0x33: {  	[sflag:s4] =	ssyncadd.s32 $0xFFFFFE00  }
0x34: {  	[tilespmem:s6], [sflag:$0x1] =	stream.indirect.gather [hbm4b:s2+s6], $0x80, s3, s6, $0xb8;
	[tilespmem:$0x11200] =	vst v63  }
0x35: {  	_ =	swait.ge [sflag:s7], $0x10000  }
0x36: {  	[sflag:s7] =	ssyncset.done $0x0  }
0x37: {  	[sflag:s7] =	ssyncadd.s32 $0xFFFF0000  }
0x38: {  	[hbm4b:s8+s3] =	stream.linear.scatter [tilespmem:s6], [sflag:$0x2], $0x10000, $0x38;
	[tilespmem:$0x11200] =	vst v63  }
0x39: {  	_ =	swait.ge [sflag:s4], $0x10000  }
0x3a: {  	[sflag:s4] =	ssyncset.done $0x0  }
0x3b: {  	[sflag:s4] =	ssyncadd.s32 $0xFFFF0000  }
0x3c: {  	[tilespmem:s10], [sflag:$0x1] =	stream.indirect.gather [hbm4b:s9+s6], $0x1, s3, s6, $0xb8;
	[tilespmem:$0x11200] =	vst v63  }
0x3d: {  	_ =	swait.ge [sflag:s7], $0x200  }
0x3e: {  	[sflag:s7] =	ssyncset.done $0x0  }
0x3f: {  	[sflag:s7] =	ssyncadd.s32 $0xFFFFFE00  }
0x40: {  	[hbm4b:s11+s3] =	stream.linear.scatter [tilespmem:s10], [sflag:$0x2], $0x1000, $0x38;
	[tilespmem:$0x11200] =	vst v63  }
0x41: {  	_ =	swait.ge [sflag:s4], $0x1000  }
0x42: {  	[sflag:s4] =	ssyncset.done $0x0  }
0x43: {  	[sflag:s4] =	ssyncadd.s32 $0xFFFFF000  }
0x44: {  	[tilespmem:s3], [sflag:$0x2] =	stream.linear.gather [hbm4b:s12+s3], $0x200, $0x38;
	[tilespmem:$0x11200] =	vst v63  }
0x45: {  	_ =	swait.ge [sflag:s4], $0x200  }
0x46: {  	[sflag:s4] =	ssyncset.done $0x0  }
0x47: {  	[sflag:s4] =	ssyncadd.s32 $0xFFFFFE00  }
0x48: {  	[tilespmem:s6], [sflag:$0x1] =	stream.indirect.gather [hbm4b:s2+s6], $0x80, s3, s6, $0xb8;
	[tilespmem:$0x11200] =	vst v63  }
0x49: {  	_ =	swait.ge [sflag:s7], $0x10000  }
0x4a: {  	[sflag:s7] =	ssyncset.done $0x0  }
0x4b: {  	[sflag:s7] =	ssyncadd.s32 $0xFFFF0000  }
0x4c: {  	[hbm4b:s13+s3] =	stream.linear.scatter [tilespmem:s6], [sflag:$0x2], $0x10000, $0x38;
	[tilespmem:$0x11200] =	vst v63  }
0x4d: {  	_ =	swait.ge [sflag:s4], $0x10000  }
0x4e: {  	[sflag:s4] =	ssyncset.done $0x0  }
0x4f: {  	[sflag:s4] =	ssyncadd.s32 $0xFFFF0000  }
0x50: {  	[tilespmem:s10], [sflag:$0x1] =	stream.indirect.gather [hbm4b:s9+s6], $0x1, s3, s6, $0xb8;
	[tilespmem:$0x11200] =	vst v63  }
0x51: {  	_ =	swait.ge [sflag:s7], $0x200  }
.Ltmp1:
0x52: {  	[sflag:s7] =	ssyncset.done $0x0;
	(pc) =	sbr.rel @p0 .LBB2_1-.Ltmp1, $4  }
0x53: {  	[sflag:s7] =	ssyncadd.s32 $0xFFFFFE00  }
0x54: {  	[hbm4b:s14+s3] =	stream.linear.scatter [tilespmem:s10], [sflag:$0x2], $0x1000, $0x38;
	[tilespmem:$0x11200] =	vst v63  }
0x55: {  	_ =	swait.ge [sflag:s4], $0x1000  }
0x56: {  	[sflag:s4] =	ssyncset.done $0x0  }
.LBB2_2:
0x57: {  	[sflag:s4] =	ssyncadd.s32 $0xFFFFF000  }
0x58: {  	_ =	sfence.sel $0x180000  }
0x59: {  	[bflag:$0x0] =	sbarrier.arrive $0xFFFF  }
0x5a: {  	p0 =	sne.s32 s0, $0x0;
	_ =	strace $0x90000047  }
0x5b: {  	s0 =	sadd.s32 @!p0 $0x100000, s1;
	[bflag:$0x2] =	sbarrier.arrive $0xFFFF  }
0x5c: {  	[sflag:s0] =	ssyncadd.tile.s32 @!p0 $0x1;
	_ =	shalt  }
.Lfunc_end2:
_tile_overlayer_lowered:
.L_overlay_start_2:
0x5d: {  	(tag) =	ssettag $0x2  }
0x5e: {  	s0 =	rddreg [dreg:$0x0];
	s2 =	stileid.u32  }
0x5f: {  	s1 =	rddreg [dreg:$0x1];
	p0 =	sne.s32 s2, $0x0  }
0x60: {  	s3 =	rddreg [dreg:$0x2];
	[bflag:$0x3] =	sbarrier.arrive $0xFFFF;
	s2 =	simm.s32 @!p0 $0x1C02  }
0x61: {  	[timem:s3], [sflag:s2] =	dma.local @!p0 [hbm:s0], s1  }
0x62: {  	s0 =	simm.s32 @!p0 $0x2  }
0x63: {  	_ =	swait.ge @!p0 [sflag:s0], s1  }
0x64: {  	s1 =	ssub.s32 @!p0 $0x0, s1;
	[sflag:s0] =	ssyncset.done @!p0 $0x0  }
0x65: {  	[sflag:s0] =	ssyncadd.s32 @!p0 s1  }
0x66: {  	[bflag:$0x3] =	sbarrier.arrive $0xFFFF  }
0x67: {  	_ =	shalt  }

</sc_bundles>
